<compile_context>
chip_gen: v7x
topology: tpu7x:2x2x1
jax: 0.10.2.dev20260603
libtpu: 0.0.44.dev20260713+nightly
codegen_flags: <defaults>
</compile_context>

<pallas_src>
import functools

import jax
import jax.numpy as jnp
from jax import lax
from jax.experimental import pallas as pl
from jax.experimental.pallas import tpu as pltpu
from jax.experimental.pallas import tpu_sc as plsc

NCOMP = 16
NCLASS = 2
D = 768
NOUT = NCOMP * NCLASS
TILE = 2048
LANES = 16


def _mm_kernel(emb_ref, w_ref, b_ref, out_ref):
    out_ref[...] = (
        jnp.dot(emb_ref[...], w_ref[...], preferred_element_type=jnp.float32)
        + b_ref[...]
    )


def _all_logits(embeddings, w_full, b_full):
    B = embeddings.shape[0]
    return pl.pallas_call(
        _mm_kernel,
        grid=(B // TILE,),
        in_specs=[
            pl.BlockSpec((TILE, D), lambda i: (i, 0)),
            pl.BlockSpec((D, NOUT), lambda i: (0, 0)),
            pl.BlockSpec((1, NOUT), lambda i: (0, 0)),
        ],
        out_specs=pl.BlockSpec((TILE, NOUT), lambda i: (i, 0)),
        out_shape=jax.ShapeDtypeStruct((B, NOUT), jnp.float32),
    )(embeddings, w_full, b_full)


@functools.cache
def _make_select(B):
    info = plsc.get_sparse_core_info()
    tpw = B // info.num_subcores
    mesh = plsc.VectorSubcoreMesh(
        core_axis_name="c", subcore_axis_name="s", num_cores=1
    )

    @functools.partial(
        pl.kernel,
        mesh=mesh,
        compiler_params=pltpu.CompilerParams(
            needs_layout_passes=False, skip_device_barrier=True
        ),
        out_type=jax.ShapeDtypeStruct((B * NCLASS,), jnp.float32),
        scratch_types=[
            pltpu.VMEM((tpw,), jnp.int32),
            pltpu.VMEM((tpw * NOUT,), jnp.float32),
            pltpu.VMEM((tpw * NCLASS,), jnp.float32),
        ],
    )
    def select(logits_hbm, cid_hbm, out_hbm, cid_v, log_v, out_v):
        base = lax.axis_index("s") * tpw
        pltpu.sync_copy(cid_hbm.at[pl.ds(base, tpw)], cid_v)
        pltpu.sync_copy(logits_hbm.at[pl.ds(base * NOUT, tpw * NOUT)], log_v)

        def body(i, carry):
            rows = lax.iota(jnp.int32, LANES) + i * LANES
            src = rows * NOUT + cid_v[pl.ds(i * LANES, LANES)] * NCLASS
            dst = rows * NCLASS
            v0 = plsc.load_gather(log_v, [src])
            v1 = plsc.load_gather(log_v, [src + 1])
            plsc.store_scatter(out_v, [dst], v0)
            plsc.store_scatter(out_v, [dst + 1], v1)
            return carry

        lax.fori_loop(0, tpw // LANES, body, 0, unroll=4)
        pltpu.sync_copy(out_v, out_hbm.at[pl.ds(base * NCLASS, tpw * NCLASS)])

    return select


def kernel(embeddings, component_idx, W, b):
    B = embeddings.shape[0]
    cid = component_idx.astype(jnp.int32)
    w_full = jnp.transpose(W, (1, 0, 2)).reshape(D, NOUT)
    b_full = b.reshape(1, NOUT)
    logits = _all_logits(embeddings, w_full, b_full)
    out_flat = _make_select(B)(logits.reshape(B * NOUT), cid)
    return out_flat.reshape(B, NCLASS)

# --- scband reference (transcript-rebuilt; emitter-appended) ---
"""Pipeline reference for scband-dhsmo-edetector-3092376453874 (READ-ONLY COPY).

The authoritative reference and input builder live on the scoring server;
editing this copy changes nothing except your own understanding.
"""

import jax, jax.numpy as jnp
import numpy as np

NCOMP = 16
B = 16384
D = 768
NCLASS = 2

def setup_inputs(seed: int = 0) -> dict:
    key = jax.random.key(seed)
    k1, k2, k3 = jax.random.split(key, 3)
    embeddings = jax.random.normal(k1, (B, D), dtype=jnp.float32)
    component_idx = jax.random.randint(k2, (B,), 0, NCOMP, dtype=jnp.int64)
    W = jax.random.normal(k3, (NCOMP, D, NCLASS), dtype=jnp.float32) * 0.02
    b = jnp.zeros((NCOMP, NCLASS), dtype=jnp.float32)
    return {"embeddings": embeddings, "component_idx": component_idx, "W": W, "b": b}

def reference(embeddings, component_idx, W, b):
    # Faithful translation of DHSMoEDetector.forward after encode_dna:
    # identity feature transformer, per-component masked gather,
    # per-component linear classifier, concat, then argsort-based unpermute.
    predictions = jnp.zeros((embeddings.shape[0], b.shape[1]), dtype=embeddings.dtype)
    for i in range(NCOMP):
        mask = component_idx == i
        preds = embeddings @ W[i] + b[i]
        predictions = jnp.where(mask[:, None], preds, predictions)
    return predictions

if __name__ == "__main__":
    import jax
    _d = setup_inputs()
    print(jax.jit(kernel)(*tuple(_d.values())))

</pallas_src>

<mosaic_0001>
#map = affine_map<(d0, d1) -> (0)>
module attributes {stable_mosaic.version = 14 : i64} {
  func.func @select(%arg0: i32, %arg1: i32, %arg2: memref<524288xf32, #tpu.memory_space<hbm>>, %arg3: memref<16384xi32, #tpu.memory_space<hbm>>, %arg4: memref<32768xf32, #tpu.memory_space<hbm>>, %arg5: memref<1024xi32, #tpu.memory_space<vmem>>, %arg6: memref<32768xf32, #tpu.memory_space<vmem>>, %arg7: memref<2048xf32, #tpu.memory_space<vmem>>) attributes {dimension_semantics = [#tpu.dimension_semantics<core_parallel>, #tpu.dimension_semantics<subcore_parallel>], iteration_bounds = array<i64: 1, 16>, scalar_prefetch = 0 : i64, scratch_operands = 3 : i64, tpu.core_type = #tpu.core_type<sc_vector_subcore>, window_params = [{transform_indices = #map}, {transform_indices = #map}, {transform_indices = #map}]} {
    %mul3A = arith.constant 1024 : i32
    %mul3A_0 = arith.muli %arg1, %mul3A : i32
    "tpu.region"() ({
      %run_scoped3A = tpu.sem_alloc : memref<!tpu.dma_semaphore, #tpu.memory_space<semaphore_mem>>
      %dma_start3A = tpu.memref_slice %arg3[%mul3A_0] : memref<16384xi32, #tpu.memory_space<hbm>> -> memref<1024xi32, #tpu.memory_space<hbm>>
      %dma_start3A_10 = tpu.memref_slice %arg3[%mul3A_0] : memref<16384xi32, #tpu.memory_space<hbm>> -> memref<1024xi32, #tpu.memory_space<hbm>>
      tpu.enqueue_dma source(%dma_start3A_10 : memref<1024xi32, #tpu.memory_space<hbm>>) target(%arg5 : memref<1024xi32, #tpu.memory_space<vmem>>) target_semaphore(%run_scoped3A : memref<!tpu.dma_semaphore, #tpu.memory_space<semaphore_mem>>)
      %dma_wait3A = tpu.memref_slice %arg3[%mul3A_0] : memref<16384xi32, #tpu.memory_space<hbm>> -> memref<1024xi32, #tpu.memory_space<hbm>>
      %dma_wait3A_11 = tpu.memref_slice %arg3[%mul3A_0] : memref<16384xi32, #tpu.memory_space<hbm>> -> memref<1024xi32, #tpu.memory_space<hbm>>
      tpu.wait_dma2 semaphore(%run_scoped3A : memref<!tpu.dma_semaphore, #tpu.memory_space<semaphore_mem>>) src(%dma_wait3A_11 : memref<1024xi32, #tpu.memory_space<hbm>>) dst(%arg5 : memref<1024xi32, #tpu.memory_space<vmem>>)
      tpu.yield
    }) : () -> ()
    %mul3A_1 = arith.constant 32 : i32
    %mul3A_2 = arith.muli %mul3A_0, %mul3A_1 : i32
    "tpu.region"() ({
      %run_scoped3A = tpu.sem_alloc : memref<!tpu.dma_semaphore, #tpu.memory_space<semaphore_mem>>
      %dma_start3A = tpu.memref_slice %arg2[%mul3A_2] : memref<524288xf32, #tpu.memory_space<hbm>> -> memref<32768xf32, #tpu.memory_space<hbm>>
      %dma_start3A_10 = tpu.memref_slice %arg2[%mul3A_2] : memref<524288xf32, #tpu.memory_space<hbm>> -> memref<32768xf32, #tpu.memory_space<hbm>>
      tpu.enqueue_dma source(%dma_start3A_10 : memref<32768xf32, #tpu.memory_space<hbm>>) target(%arg6 : memref<32768xf32, #tpu.memory_space<vmem>>) target_semaphore(%run_scoped3A : memref<!tpu.dma_semaphore, #tpu.memory_space<semaphore_mem>>)
      %dma_wait3A = tpu.memref_slice %arg2[%mul3A_2] : memref<524288xf32, #tpu.memory_space<hbm>> -> memref<32768xf32, #tpu.memory_space<hbm>>
      %dma_wait3A_11 = tpu.memref_slice %arg2[%mul3A_2] : memref<524288xf32, #tpu.memory_space<hbm>> -> memref<32768xf32, #tpu.memory_space<hbm>>
      tpu.wait_dma2 semaphore(%run_scoped3A : memref<!tpu.dma_semaphore, #tpu.memory_space<semaphore_mem>>) src(%dma_wait3A_11 : memref<32768xf32, #tpu.memory_space<hbm>>) dst(%arg6 : memref<32768xf32, #tpu.memory_space<vmem>>)
      tpu.yield
    }) : () -> ()
    %scan3A = arith.constant 0 : i32
    %scan3A_3 = arith.constant 0 : i32
    %scan3A_4 = arith.constant 64 : i32
    %scan3A_5 = arith.addi %scan3A_3, %scan3A_4 : i32
    %scan3A_6 = arith.constant 4 : i32
    scf.for %scan3A_10 = %scan3A_3 to %scan3A_5 step %scan3A_6  : i32 {
      %iota3A = tpu.iota {dimensions = array<i32: 0>} : vector<16xi32>
      %mul3A_11 = arith.constant 16 : i32
      %mul3A_12 = arith.muli %scan3A_10, %mul3A_11 : i32
      %add3A = vector.broadcast %mul3A_12 : i32 to vector<16xi32>
      %add3A_13 = arith.addi %iota3A, %add3A : vector<16xi32>
      %mul3A_14 = arith.constant 32 : i32
      %mul3A_15 = vector.broadcast %mul3A_14 : i32 to vector<16xi32>
      %mul3A_16 = arith.muli %add3A_13, %mul3A_15 : vector<16xi32>
      %mul3A_17 = arith.constant 16 : i32
      %mul3A_18 = arith.muli %scan3A_10, %mul3A_17 : i32
      %get3A = arith.index_cast %mul3A_18 : i32 to index
      %get3A_19 = tpu.vector_load %arg5[%get3A] {strides = array<i32>} : memref<1024xi32, #tpu.memory_space<vmem>>, vector<16xi32>,
      %mul3A_20 = arith.constant 2 : i32
      %mul3A_21 = vector.broadcast %mul3A_20 : i32 to vector<16xi32>
      %mul3A_22 = arith.muli %get3A_19, %mul3A_21 : vector<16xi32>
      %add3A_23 = arith.addi %mul3A_16, %mul3A_22 : vector<16xi32>
      %mul3A_24 = arith.constant 2 : i32
      %mul3A_25 = vector.broadcast %mul3A_24 : i32 to vector<16xi32>
      %mul3A_26 = arith.muli %add3A_13, %mul3A_25 : vector<16xi32>
      %gather3A = tpu.vector_load_idx %arg6[%add3A_23] : memref<32768xf32, #tpu.memory_space<vmem>>[vector<16xi32>], vector<16xf32>,
      %add3A_27 = arith.constant 1 : i32
      %add3A_28 = vector.broadcast %add3A_27 : i32 to vector<16xi32>
      %add3A_29 = arith.addi %add3A_23, %add3A_28 : vector<16xi32>
      %gather3A_30 = tpu.vector_load_idx %arg6[%add3A_29] : memref<32768xf32, #tpu.memory_space<vmem>>[vector<16xi32>], vector<16xf32>,
      tpu.vector_store_idx %arg7[%mul3A_26], %gather3A : memref<2048xf32, #tpu.memory_space<vmem>>[vector<16xi32>], vector<16xf32>,
      %add3A_31 = arith.constant 1 : i32
      %add3A_32 = vector.broadcast %add3A_31 : i32 to vector<16xi32>
      %add3A_33 = arith.addi %mul3A_26, %add3A_32 : vector<16xi32>
      tpu.vector_store_idx %arg7[%add3A_33], %gather3A_30 : memref<2048xf32, #tpu.memory_space<vmem>>[vector<16xi32>], vector<16xf32>,
      %scan3A_34 = arith.constant 1 : i32
      %scan3A_35 = arith.addi %scan3A_10, %scan3A_34 : i32
      %iota3A_36 = tpu.iota {dimensions = array<i32: 0>} : vector<16xi32>
      %mul3A_37 = arith.constant 16 : i32
      %mul3A_38 = arith.muli %scan3A_35, %mul3A_37 : i32
      %add3A_39 = vector.broadcast %mul3A_38 : i32 to vector<16xi32>
      %add3A_40 = arith.addi %iota3A_36, %add3A_39 : vector<16xi32>
      %mul3A_41 = arith.constant 32 : i32
      %mul3A_42 = vector.broadcast %mul3A_41 : i32 to vector<16xi32>
      %mul3A_43 = arith.muli %add3A_40, %mul3A_42 : vector<16xi32>
      %mul3A_44 = arith.constant 16 : i32
      %mul3A_45 = arith.muli %scan3A_35, %mul3A_44 : i32
      %get3A_46 = arith.index_cast %mul3A_45 : i32 to index
      %get3A_47 = tpu.vector_load %arg5[%get3A_46] {strides = array<i32>} : memref<1024xi32, #tpu.memory_space<vmem>>, vector<16xi32>,
      %mul3A_48 = arith.constant 2 : i32
      %mul3A_49 = vector.broadcast %mul3A_48 : i32 to vector<16xi32>
      %mul3A_50 = arith.muli %get3A_47, %mul3A_49 : vector<16xi32>
      %add3A_51 = arith.addi %mul3A_43, %mul3A_50 : vector<16xi32>
      %mul3A_52 = arith.constant 2 : i32
      %mul3A_53 = vector.broadcast %mul3A_52 : i32 to vector<16xi32>
      %mul3A_54 = arith.muli %add3A_40, %mul3A_53 : vector<16xi32>
      %gather3A_55 = tpu.vector_load_idx %arg6[%add3A_51] : memref<32768xf32, #tpu.memory_space<vmem>>[vector<16xi32>], vector<16xf32>,
      %add3A_56 = arith.constant 1 : i32
      %add3A_57 = vector.broadcast %add3A_56 : i32 to vector<16xi32>
      %add3A_58 = arith.addi %add3A_51, %add3A_57 : vector<16xi32>
      %gather3A_59 = tpu.vector_load_idx %arg6[%add3A_58] : memref<32768xf32, #tpu.memory_space<vmem>>[vector<16xi32>], vector<16xf32>,
      tpu.vector_store_idx %arg7[%mul3A_54], %gather3A_55 : memref<2048xf32, #tpu.memory_space<vmem>>[vector<16xi32>], vector<16xf32>,
      %add3A_60 = arith.constant 1 : i32
      %add3A_61 = vector.broadcast %add3A_60 : i32 to vector<16xi32>
      %add3A_62 = arith.addi %mul3A_54, %add3A_61 : vector<16xi32>
      tpu.vector_store_idx %arg7[%add3A_62], %gather3A_59 : memref<2048xf32, #tpu.memory_space<vmem>>[vector<16xi32>], vector<16xf32>,
      %scan3A_63 = arith.constant 2 : i32
      %scan3A_64 = arith.addi %scan3A_10, %scan3A_63 : i32
      %iota3A_65 = tpu.iota {dimensions = array<i32: 0>} : vector<16xi32>
      %mul3A_66 = arith.constant 16 : i32
      %mul3A_67 = arith.muli %scan3A_64, %mul3A_66 : i32
      %add3A_68 = vector.broadcast %mul3A_67 : i32 to vector<16xi32>
      %add3A_69 = arith.addi %iota3A_65, %add3A_68 : vector<16xi32>
      %mul3A_70 = arith.constant 32 : i32
      %mul3A_71 = vector.broadcast %mul3A_70 : i32 to vector<16xi32>
      %mul3A_72 = arith.muli %add3A_69, %mul3A_71 : vector<16xi32>
      %mul3A_73 = arith.constant 16 : i32
      %mul3A_74 = arith.muli %scan3A_64, %mul3A_73 : i32
      %get3A_75 = arith.index_cast %mul3A_74 : i32 to index
      %get3A_76 = tpu.vector_load %arg5[%get3A_75] {strides = array<i32>} : memref<1024xi32, #tpu.memory_space<vmem>>, vector<16xi32>,
      %mul3A_77 = arith.constant 2 : i32
      %mul3A_78 = vector.broadcast %mul3A_77 : i32 to vector<16xi32>
      %mul3A_79 = arith.muli %get3A_76, %mul3A_78 : vector<16xi32>
      %add3A_80 = arith.addi %mul3A_72, %mul3A_79 : vector<16xi32>
      %mul3A_81 = arith.constant 2 : i32
      %mul3A_82 = vector.broadcast %mul3A_81 : i32 to vector<16xi32>
      %mul3A_83 = arith.muli %add3A_69, %mul3A_82 : vector<16xi32>
      %gather3A_84 = tpu.vector_load_idx %arg6[%add3A_80] : memref<32768xf32, #tpu.memory_space<vmem>>[vector<16xi32>], vector<16xf32>,
      %add3A_85 = arith.constant 1 : i32
      %add3A_86 = vector.broadcast %add3A_85 : i32 to vector<16xi32>
      %add3A_87 = arith.addi %add3A_80, %add3A_86 : vector<16xi32>
      %gather3A_88 = tpu.vector_load_idx %arg6[%add3A_87] : memref<32768xf32, #tpu.memory_space<vmem>>[vector<16xi32>], vector<16xf32>,
      tpu.vector_store_idx %arg7[%mul3A_83], %gather3A_84 : memref<2048xf32, #tpu.memory_space<vmem>>[vector<16xi32>], vector<16xf32>,
      %add3A_89 = arith.constant 1 : i32
      %add3A_90 = vector.broadcast %add3A_89 : i32 to vector<16xi32>
      %add3A_91 = arith.addi %mul3A_83, %add3A_90 : vector<16xi32>
      tpu.vector_store_idx %arg7[%add3A_91], %gather3A_88 : memref<2048xf32, #tpu.memory_space<vmem>>[vector<16xi32>], vector<16xf32>,
      %scan3A_92 = arith.constant 3 : i32
      %scan3A_93 = arith.addi %scan3A_10, %scan3A_92 : i32
      %iota3A_94 = tpu.iota {dimensions = array<i32: 0>} : vector<16xi32>
      %mul3A_95 = arith.constant 16 : i32
      %mul3A_96 = arith.muli %scan3A_93, %mul3A_95 : i32
      %add3A_97 = vector.broadcast %mul3A_96 : i32 to vector<16xi32>
      %add3A_98 = arith.addi %iota3A_94, %add3A_97 : vector<16xi32>
      %mul3A_99 = arith.constant 32 : i32
      %mul3A_100 = vector.broadcast %mul3A_99 : i32 to vector<16xi32>
      %mul3A_101 = arith.muli %add3A_98, %mul3A_100 : vector<16xi32>
      %mul3A_102 = arith.constant 16 : i32
      %mul3A_103 = arith.muli %scan3A_93, %mul3A_102 : i32
      %get3A_104 = arith.index_cast %mul3A_103 : i32 to index
      %get3A_105 = tpu.vector_load %arg5[%get3A_104] {strides = array<i32>} : memref<1024xi32, #tpu.memory_space<vmem>>, vector<16xi32>,
      %mul3A_106 = arith.constant 2 : i32
      %mul3A_107 = vector.broadcast %mul3A_106 : i32 to vector<16xi32>
      %mul3A_108 = arith.muli %get3A_105, %mul3A_107 : vector<16xi32>
      %add3A_109 = arith.addi %mul3A_101, %mul3A_108 : vector<16xi32>
      %mul3A_110 = arith.constant 2 : i32
      %mul3A_111 = vector.broadcast %mul3A_110 : i32 to vector<16xi32>
      %mul3A_112 = arith.muli %add3A_98, %mul3A_111 : vector<16xi32>
      %gather3A_113 = tpu.vector_load_idx %arg6[%add3A_109] : memref<32768xf32, #tpu.memory_space<vmem>>[vector<16xi32>], vector<16xf32>,
      %add3A_114 = arith.constant 1 : i32
      %add3A_115 = vector.broadcast %add3A_114 : i32 to vector<16xi32>
      %add3A_116 = arith.addi %add3A_109, %add3A_115 : vector<16xi32>
      %gather3A_117 = tpu.vector_load_idx %arg6[%add3A_116] : memref<32768xf32, #tpu.memory_space<vmem>>[vector<16xi32>], vector<16xf32>,
      tpu.vector_store_idx %arg7[%mul3A_112], %gather3A_113 : memref<2048xf32, #tpu.memory_space<vmem>>[vector<16xi32>], vector<16xf32>,
      %add3A_118 = arith.constant 1 : i32
      %add3A_119 = vector.broadcast %add3A_118 : i32 to vector<16xi32>
      %add3A_120 = arith.addi %mul3A_112, %add3A_119 : vector<16xi32>
      tpu.vector_store_idx %arg7[%add3A_120], %gather3A_117 : memref<2048xf32, #tpu.memory_space<vmem>>[vector<16xi32>], vector<16xf32>,
    }
    %scan3A_7 = arith.constant 64 : i32
    %mul3A_8 = arith.constant 2 : i32
    %mul3A_9 = arith.muli %mul3A_0, %mul3A_8 : i32
    "tpu.region"() ({
      %run_scoped3A = tpu.sem_alloc : memref<!tpu.dma_semaphore, #tpu.memory_space<semaphore_mem>>
      %dma_start3A = tpu.memref_slice %arg4[%mul3A_9] : memref<32768xf32, #tpu.memory_space<hbm>> -> memref<2048xf32, #tpu.memory_space<hbm>>
      %dma_start3A_10 = tpu.memref_slice %arg4[%mul3A_9] : memref<32768xf32, #tpu.memory_space<hbm>> -> memref<2048xf32, #tpu.memory_space<hbm>>
      tpu.enqueue_dma source(%arg7 : memref<2048xf32, #tpu.memory_space<vmem>>) target(%dma_start3A_10 : memref<2048xf32, #tpu.memory_space<hbm>>) target_semaphore(%run_scoped3A : memref<!tpu.dma_semaphore, #tpu.memory_space<semaphore_mem>>)
      %dma_wait3A = tpu.memref_slice %arg4[%mul3A_9] : memref<32768xf32, #tpu.memory_space<hbm>> -> memref<2048xf32, #tpu.memory_space<hbm>>
      %dma_wait3A_11 = tpu.memref_slice %arg4[%mul3A_9] : memref<32768xf32, #tpu.memory_space<hbm>> -> memref<2048xf32, #tpu.memory_space<hbm>>
      tpu.wait_dma2 semaphore(%run_scoped3A : memref<!tpu.dma_semaphore, #tpu.memory_space<semaphore_mem>>) src(%arg7 : memref<2048xf32, #tpu.memory_space<vmem>>) dst(%dma_wait3A_11 : memref<2048xf32, #tpu.memory_space<hbm>>)
      tpu.yield
    }) : () -> ()
    return
  }
}

module attributes {stable_mosaic.version = 14 : i64} {
  func.func @_mm_kernel(%arg0: i32, %arg1: memref<2048x768xf32, #tpu.memory_space<vmem>>, %arg2: memref<768x32xf32, #tpu.memory_space<vmem>>, %arg3: memref<1x32xf32, #tpu.memory_space<vmem>>, %arg4: memref<2048x32xf32, #tpu.memory_space<vmem>>) attributes {dimension_semantics = [#tpu.dimension_semantics<arbitrary>], iteration_bounds = array<i64: 8>, scalar_prefetch = 0 : i64, scratch_operands = 0 : i64, tpu.core_type = #tpu.core_type<tc>, window_params = [{transform_indices = @transform_0, window_bounds = array<i64: 2048, 768>}, {pipeline_mode = #tpu.pipeline_mode<synchronous>, transform_indices = @transform_1, window_bounds = array<i64: 768, 32>}, {pipeline_mode = #tpu.pipeline_mode<synchronous>, transform_indices = @transform_2, window_bounds = array<i64: 1, 32>}, {transform_indices = @transform_3, window_bounds = array<i64: 2048, 32>}]} {
    %get3A = arith.constant 0 : index
    %get3A_0 = arith.constant 0 : index
    %get3A_1 = vector.load %arg1[%get3A, %get3A_0] : memref<2048x768xf32, #tpu.memory_space<vmem>>, vector<2048x768xf32>
    %get3A_2 = arith.constant 0 : index
    %get3A_3 = arith.constant 0 : index
    %get3A_4 = vector.load %arg2[%get3A_2, %get3A_3] : memref<768x32xf32, #tpu.memory_space<vmem>>, vector<768x32xf32>
    %dot_general3A = arith.constant dense<0.000000e+00> : vector<2048x32xf32>
    %dot_general3A_5 = tpu.matmul %get3A_1, %get3A_4, %dot_general3A {dimension_numbers = #tpu.dot_dimension_numbers<[1], [0], [0], [1], [0, 0, 1, 1], [], []>, transpose_lhs_hint = false} : vector<2048x768xf32>, vector<768x32xf32>, vector<2048x32xf32> -> vector<2048x32xf32>
    %get3A_6 = arith.constant 0 : index
    %get3A_7 = arith.constant 0 : index
    %get3A_8 = vector.load %arg3[%get3A_6, %get3A_7] : memref<1x32xf32, #tpu.memory_space<vmem>>, vector<1x32xf32>
    %add3A = vector.broadcast %get3A_8 : vector<1x32xf32> to vector<2048x32xf32>
    %add3A_9 = arith.addf %dot_general3A_5, %add3A : vector<2048x32xf32>
    %swap3A = arith.constant 0 : index
    %swap3A_10 = arith.constant 0 : index
    %swap3A_11 = vector.load %arg4[%swap3A, %swap3A_10] : memref<2048x32xf32, #tpu.memory_space<vmem>>, vector<2048x32xf32>
    tpu.vector_store %arg4[%swap3A, %swap3A_10], %add3A_9 {strides = array<i32>} : memref<2048x32xf32, #tpu.memory_space<vmem>>, vector<2048x32xf32>,
    return
  }
  func.func @transform_0(%arg0: i32) -> (i32, i32) {
    %c0_i32 = arith.constant 0 : i32
    %c0_i32_0 = arith.constant 0 : i32
    return %arg0, %c0_i32 : i32, i32
  }
  func.func @transform_1(%arg0: i32) -> (i32, i32) {
    %c0_i32 = arith.constant 0 : i32
    %c0_i32_0 = arith.constant 0 : i32
    %c0_i32_1 = arith.constant 0 : i32
    return %c0_i32, %c0_i32_0 : i32, i32
  }
  func.func @transform_2(%arg0: i32) -> (i32, i32) {
    %c0_i32 = arith.constant 0 : i32
    %c0_i32_0 = arith.constant 0 : i32
    %c0_i32_1 = arith.constant 0 : i32
    return %c0_i32, %c0_i32_0 : i32, i32
  }
  func.func @transform_3(%arg0: i32) -> (i32, i32) {
    %c0_i32 = arith.constant 0 : i32
    %c0_i32_0 = arith.constant 0 : i32
    return %arg0, %c0_i32 : i32, i32
  }
}

</mosaic_0001>

<sc_bundles>
// kernel: kernel.4.cloned.1.call-start
scs
__scs_entry_jumppad:
0x0: {  	(pc) =	sbr.rel $0x88, $3  }
0x1: {  	(tag) =	ssettag $0x0;
	lr =	simm.s32 $0x1  }
0x2: {  	[smem:$0x3F9D] =	sst lr;
	_ =	strace $0xD0000000  }
0x3: {  	_ = 	snop  }
0x4: {  	_ = 	snop  }
0x5: {  	_ = 	snop  }
0x6: {  	_ = 	snop  }
0x7: {  	_ = 	snop  }
__scs_overlays_trampoline_lowered:
0x8: {  	[smem:$0x3FAC] =	sst s0  }
0x9: {  	[smem:$0x3FAD] =	sst s1  }
0xa: {  	[smem:$0x3FAE] =	sst s2  }
0xb: {  	[smem:$0x3FAF] =	sst s3  }
0xc: {  	[smem:$0x3FB0] =	sst s4  }
0xd: {  	[smem:$0x3FB1] =	sst s5  }
0xe: {  	[smem:$0x3FB2] =	sst s6  }
0xf: {  	[smem:$0x3FB3] =	sst s7  }
0x10: {  	[smem:$0x3FB4] =	sst s8  }
0x11: {  	[smem:$0x3FB5] =	sst s9;
	s0 =	simm.s32 @!p0 $0x0  }
0x12: {  	s1 =	sld [smem:$0x3F9B];
	s0 =	simm.s32 @p0 $0x1  }
0x13: {  	[smem:$0x3FB6] =	sst s0;
	s0 =	simm.s32 @!p1 $0x0  }
0x14: {  	s2 =	sld [smem:$0x3F9A];
	s0 =	simm.s32 @p1 $0x1  }
0x15: {  	[smem:$0x3FB7] =	sst s0;
	s0 =	simm.s32 @!p2 $0x0  }
0x16: {  	s3 =	sld [smem:$0x3FDB];
	s0 =	simm.s32 @p2 $0x1  }
0x17: {  	s4 =	simm.s32 $0x1BF5;
	[smem:$0x3FB9] =	sst s0  }
0x18: {  	s0 =	sld [smem:$0x3F9C];
	_ =	swait.ge [sflag:s4], $0x0  }
0x19: {  	s7 =	sld [smem:$0x3F9D]  }
0x1a: {  	s8 =	sadd.s32 $0xFFFFE003, lr  }
0x1b: {  	s9 =	sadd.s32 $0xFFFFFEF7, lr;
	s5 =	simm.s32 $0xFFFFFFFF;
	p2 =	slt.u32 s8, $0xFFFFF086  }
0x1c: {  	p1 =	slt.u32 s9, $0xF7A;
	s5 =	simm.s32 @!p2 $0x0  }
0x1d: {  	s5 =	simm.s32 @p1 $0x1;
	p0 =	seq.s32 s7, s2  }
0x1e: {  	s7 =	smul.u32 @!p0 $0xF7A, s2;
	p2 =	seq.s32 @!p0 s5, $0x0  }
0x1f: {  	s9 =	smul.u32 $0xF7A, s1;
	s8 =	simm.s32 @!p0 $0x1BF5;
	p2 =	por !p2, p0  }
0x20: {  	[sflag:s8] =	ssyncset.s32 @!p0 $0xFFFFF086;
	s6 =	sadd.s32 @!p0 s3, s7;
	s7 =	simm.s32 @!p0 $0x108  }
0x21: {  	s3 =	sadd.s32 s3, s9;
	s6 =	sadd.s32 @!p0 $0x88, s6;
	s7 =	simm.s32 @p2 $0x1082  }
0x22: {  	[simem:s7], [sflag:s8] =	dma.local @!p0 [hbm:s6], $0xF7A  }
0x23: {  	s9 =	sor.u32 $0xD0000000, s2;
	s6 =	simm.s32 $0x108;
	_ =	swait.ge @!p0 [sflag:s8], $0x0  }
0x24: {  	s3 =	sadd.s32 $0x88, s3;
	s6 =	simm.s32 @!p1 $0x1082;
	[sflag:s4] =	ssyncset.s32 $0xFFFFF086  }
0x25: {  	[simem:s6], [sflag:s4] =	dma.local [hbm:s3], $0xF7A  }
0x26: {  	[smem:$0x3F9D] =	sst s1;
	(tag) =	ssettag s2;
	_ =	strace s9  }
0x27: {  	s1 =	sld [smem:$0x3FAD]  }
0x28: {  	s2 =	sld [smem:$0x3FAE]  }
0x29: {  	s4 =	sld [smem:$0x3FB0]  }
0x2a: {  	p0 =	seq.s32 s5, $0x0;
	s5 =	sld [smem:$0x3FB1]  }
0x2b: {  	s6 =	sld [smem:$0x3FB2]  }
0x2c: {  	s7 =	sld [smem:$0x3FB3]  }
0x2d: {  	s3 =	simm.s32 $0x108;
	s8 =	sld [smem:$0x3FB4]  }
0x2e: {  	s3 =	simm.s32 @!p0 $0x1082;
	s9 =	sld [smem:$0x3FB5]  }
0x2f: {  	lr =	sadd.s32 s0, s3;
	s0 =	sld [smem:$0x3FAC]  }
0x30: {  	s3 =	sld [smem:$0x3FAF]  }
0x31: {  	[smem:$0x3FB8] =	sst s10  }
0x32: {  	s10 =	sld [smem:$0x3FB6];
	_ =	sdelay $0x3  }
0x33: {  	p0 =	seq.s32 s10, $0x1;
	s10 =	sld [smem:$0x3FB8];
	_ =	sdelay $0x3  }
0x34: {  	[smem:$0x3FB8] =	sst s10  }
0x35: {  	s10 =	sld [smem:$0x3FB7];
	_ =	sdelay $0x3  }
0x36: {  	p1 =	seq.s32 s10, $0x1;
	s10 =	sld [smem:$0x3FB8];
	_ =	sdelay $0x3  }
0x37: {  	[smem:$0x3FB8] =	sst s10  }
0x38: {  	s10 =	sld [smem:$0x3FB9]  }
0x39: {  	_ = 	snop;
	(pc) =	sbr.ind lr, $3  }
0x3a: {  	_ = 	snop  }
0x3b: {  	_ = 	snop  }
0x3c: {  	p2 =	seq.s32 s10, $0x1;
	s10 =	sld [smem:$0x3FB8]  }
0x3d: {  	_ =	shalt  }
0x3e: {  	_ =	shalt  }
0x3f: {  	_ =	shalt  }
0x40: {  	_ =	shalt  }
0x41: {  	_ =	shalt  }
0x42: {  	_ =	shalt  }
0x43: {  	_ =	shalt  }
0x44: {  	_ =	shalt  }
0x45: {  	_ =	shalt  }
0x46: {  	_ =	shalt  }
0x47: {  	_ =	shalt  }
0x48: {  	_ =	shalt  }
0x49: {  	_ =	shalt  }
0x4a: {  	_ =	shalt  }
0x4b: {  	_ =	shalt  }
0x4c: {  	_ =	shalt  }
0x4d: {  	_ =	shalt  }
0x4e: {  	_ =	shalt  }
0x4f: {  	_ =	shalt  }
0x50: {  	_ =	shalt  }
0x51: {  	_ =	shalt  }
0x52: {  	_ =	shalt  }
0x53: {  	_ =	shalt  }
0x54: {  	_ =	shalt  }
0x55: {  	_ =	shalt  }
0x56: {  	_ =	shalt  }
0x57: {  	_ =	shalt  }
0x58: {  	_ =	shalt  }
0x59: {  	_ =	shalt  }
0x5a: {  	_ =	shalt  }
0x5b: {  	_ =	shalt  }
0x5c: {  	_ =	shalt  }
0x5d: {  	_ =	shalt  }
0x5e: {  	_ =	shalt  }
0x5f: {  	_ =	shalt  }
0x60: {  	_ =	shalt  }
0x61: {  	_ =	shalt  }
0x62: {  	_ =	shalt  }
0x63: {  	_ =	shalt  }
0x64: {  	_ =	shalt  }
0x65: {  	_ =	shalt  }
0x66: {  	_ =	shalt  }
0x67: {  	_ =	shalt  }
0x68: {  	_ =	shalt  }
0x69: {  	_ =	shalt  }
0x6a: {  	_ =	shalt  }
0x6b: {  	_ =	shalt  }
0x6c: {  	_ =	shalt  }
0x6d: {  	_ =	shalt  }
0x6e: {  	_ =	shalt  }
0x6f: {  	_ =	shalt  }
0x70: {  	_ =	shalt  }
0x71: {  	_ =	shalt  }
0x72: {  	_ =	shalt  }
0x73: {  	_ =	shalt  }
0x74: {  	_ =	shalt  }
0x75: {  	_ =	shalt  }
0x76: {  	_ =	shalt  }
0x77: {  	_ =	shalt  }
0x78: {  	_ =	shalt  }
0x79: {  	_ =	shalt  }
0x7a: {  	_ =	shalt  }
0x7b: {  	_ =	shalt  }
0x7c: {  	_ =	shalt  }
0x7d: {  	_ =	shalt  }
0x7e: {  	_ =	shalt  }
0x7f: {  	_ =	shalt  }
0x80: {  	_ =	shalt  }
0x81: {  	_ =	shalt  }
0x82: {  	_ =	shalt  }
0x83: {  	_ =	shalt  }
0x84: {  	_ =	shalt  }
0x85: {  	_ =	shalt  }
0x86: {  	_ =	shalt  }
0x87: {  	_ =	shalt  }
.Lfunc_end0:
.L_simem_size_0:
called_computation_lowered:
.L_overlay_start_0:
0x88: {  	s0 =	sld [smem:$0x3FD9]  }
0x89: {  	s1 =	sld [smem:$0x3FFE];
	_ =	sdelay $0x3  }
0x8a: {  	s0 =	sadd.s32 s1, s0  }
0x8b: {  	[smem:$0x3FC4] =	sst s0  }
0x8c: {  	_ = 	snop  }
0x8d: {  	s0 =	sld [smem:$0x3FC8]  }
0x8e: {  	s16 =	sld [smem:$0x3FD0];
	(tm) =	ssettm $0x1  }
0x8f: {  	s2 =	sld [smem:$0x3FFB];
	_ =	sdelay $0x3  }
0x90: {  	_ =	strace s2  }
0x91: {  	s2 =	sld [smem:$0x3FFC];
	_ =	sdelay $0x3  }
0x92: {  	_ =	strace s2  }
0x93: {  	s2 =	sld [smem:$0x3FFD];
	_ =	sdelay $0x3  }
0x94: {  	_ =	strace s2  }
0x95: {  	_ =	strace $0x8FFFFFFF  }
0x96: {  	s17 =	sld [smem:$0x3FDB];
	_ =	sdelay $0x1  }
0x97: {  	s3 =	simm.s32 $_scs_section_size  }
0x98: {  	s4 =	simm.s32 $_size__tile_overlayer_lowered;
	s5 =	simm.s32 $_tile_overlayer_lowered  }
0x99: {  	s20 =	simm.s32 $0x1BFF;
	s19 =	sshll.u32 s5, $0x1;
	s2 =	sadd.s32 s3, s17  }
0x9a: {  	s6 =	simm.s32 $0x0;
	s18 =	sshll.u32 s4, $0x1;
	s4 =	sadd.s32 s19, s2  }
0x9b: {  	[timem:s6], [sflag:s20] =	dma.local [hbm:s4], s18  }
0x9c: {  	_ =	swait.ge [sflag:s20], s18  }
0x9d: {  	s3 =	ssub.s32 $0x0, s18;
	[sflag:s20] =	ssyncset.done $0x0  }
0x9e: {  	[sflag:s20] =	ssyncadd.s32 s3;
	_ =	sdelay $0x1  }
0x9f: {  	s21 =	simm.s32 $0x1B8B  }
0xa0: {  	_ =	swait.ge [sflag:s21], $0x1  }
0xa1: {  	[sflag:s21] =	ssyncset.done $0x0  }
0xa2: {  	s23 =	simm.s32 $0x1B8E;
	s22 =	sld [smem:$0x3FFE];
	[sflag:s21] =	ssyncadd.s32 $0xFFFFFFFF  }
0xa3: {  	s24 =	simm.s32 $execute0_lowered;
	[smem:$0x3FD2] =	sst s23  }
0xa4: {  	s4 =	sshll.u32 s24, $0x1;
	_ =	strace $0x80000046;
	[dreg:$0x1] =	wrdreg $0xFFFFFFFF  }
0xa5: {  	s25 =	simm.s32 $_size_execute0_lowered;
	s2 =	sadd.s32 s2, s4;
	[dreg:$0x0] =	wrdreg $0x0  }
0xa6: {  	s4 =	sshll.u32 s25, $0x1;
	[dreg:$0x2] =	wrdreg s2  }
0xa7: {  	[dreg:$0x3] =	wrdreg s4  }
0xa8: {  	[dreg:$0x4] =	wrdreg $0xC0  }
0xa9: {  	_ =	task [dreg:s6], $0x5FFFF  }
0xaa: {  	[dreg:$0x1] =	wrdreg $0xFFFFFFFF  }
0xab: {  	[dreg:$0x0] =	wrdreg $0x60  }
0xac: {  	[dreg:$0x2] =	wrdreg s22  }
0xad: {  	[dreg:$0x3] =	wrdreg s0  }
0xae: {  	[dreg:$0x4] =	wrdreg s16  }
0xaf: {  	[dreg:$0x5] =	wrdreg $0x9  }
0xb0: {  	_ =	task.clear_ibuf [dreg:s6], $0x6FFFF;
	_ =	strace $0x90000046  }
0xb1: {  	s26 =	simm.s32 $0x9;
	_ =	strace $0x80000048  }
0xb2: {  	_ =	swait.ge [sflag:s26], $0x1  }
0xb3: {  	[sflag:s26] =	ssyncadd.s32 $0xFFFFFFFF  }
0xb4: {  	_ =	strace $0x90000048  }
0xb5: {  	_ =	sfence  }
0xb6: {  	s28 =	sld [smem:$0x0];
	_ =	sdelay $0x1  }
0xb7: {  	s29 =	srdreg.scid  }
0xb8: {  	s30 =	sshll.u32 s29, $0xD;
	s31 =	sshrl.u32 s29, $0x2  }
0xb9: {  	s1 =	sand.u32 $0x1, s29;
	s2 =	sand.u32 $0x4000, s30;
	s0 =	sadd.s32 s31, s28  }
0xba: {  	s1 =	sor.u32 s2, s1;
	s0 =	sshll.u32 s0, $0x11  }
0xbb: {  	s0 =	sor.u32 s0, s1  }
0xbc: {  	s0 =	sadd.s32 $0x8F2B, s0  }
0xbd: {  	[sflag:s0] =	ssyncadd.remote.s32 $0x1  }
0xbe: {  	_ =	sfence.sel $0xFFFF  }
0xbf: {  	[dreg:$0x0] =	wrdreg $0xFFFFFFFF;
	(pc) =	sbr.abs _section_cstart, $3  }
0xc0: {  	[dreg:$0x1] =	wrdreg $0xFFFFFFFF  }
0xc1: {  	_ =	task.clear_ibuf [dreg:s6], $0x2FFFF;
	_ =	strace $0x9FFFFFFF  }
0xc2: {  	(tm) =	ssettm $0x7FFFFFFF  }
0xc3: {  	_ =	shalt  }
tec
execute0_lowered:
.L_overlay_start_1:
0x0: {  	(tag) =	ssettag $0x1  }
0x1: {  	s4 =	rddreg [dreg:$0x0]  }
0x2: {  	s5 =	rddreg [dreg:$0x1]  }
0x3: {  	s2 =	rddreg [dreg:$0x2]  }
0x4: {  	s0 =	rddreg [dreg:$0x3];
	s3 =	simm.s32 $0x0;
	s1 =	stileid.u32  }
0x5: {  	[smem:$0x7FF] =	sst s3;
	s6 =	sshll.u32 s1, $0x7  }
0x6: {  	s30 =	simm.s32 $0x1;
	_ =	strace $0x80000047;
	s5 =	sadd.s32 s5, s6  }
0x7: {  	[tilespmem:s3], [sflag:$0x1] =	stream.linear.gather [hbm4b:s5+s3], $0x400, $0x38;
	[tilespmem:$0x8C00] =	vst v63  }
0x8: {  	s31 =	sshll.u32 s1, $0xC;
	_ =	swait.ge [sflag:s30], $0x400  }
0x9: {  	s4 =	sadd.s32 s31, s4;
	[sflag:s30] =	ssyncset.done $0x0  }
0xa: {  	s6 =	sadd.s32 $0x400, s4;
	s4 =	simm.s32 $0x400;
	[sflag:s30] =	ssyncadd.s32 $0xFFFFFC00  }
0xb: {  	[tilespmem:s4], [sflag:$0x1] =	stream.linear.gather [hbm4b:s6+s3], $0x8000, $0x38;
	[tilespmem:$0x8C00] =	vst v63  }
0xc: {  	_ =	swait.ge [sflag:s30], $0x8000  }
0xd: {  	s7 =	simm.s32 $0x8400;
	[sflag:s30] =	ssyncset.done $0x0  }
0xe: {  	v0 =	vlaneseq.u32;
	s5 =	simm.s32 $0xFFFFFFFC;
	s6 =	simm.s32 $0x20;
	[sflag:s30] =	ssyncadd.s32 $0xFFFF8000  }
.LBB2_1:
0xf: {  	v1 =	vld [tilespmem:s6+$0xFFFFFFE0];
	_ =	sdelay $0x3  }
0x10: {  	v2 =	vor.u32 s3, v0  }
0x11: {  	v3 =	vshll.u32 v2, $0x5;
	v1 =	vshll.u32 v1, $0x1  }
0x12: {  	v1 =	vadd.s32 v3, v1  }
0x13: {  	v3 =	vor.u32 $0x1, v1;
	_ =	sdelay $0x3  }
0x14: {  	v2 =	vshll.u32 v2, $0x1;
	v1 =	vld.idx.msk [tilespmem:v1+s4+$0x0], $0xffff  }
0x15: {  	v4 =	vor.u32 $0x1, v2;
	v3 =	vld.idx.msk [tilespmem:v3+s4+$0x0], $0xffff;
	_ =	sdelay $0x3  }
0x16: {  	[tilespmem:v2+s7+$0x0] =	vst.idx.msk $0xffff, v1  }
0x17: {  	[tilespmem:v4+s7+$0x0] =	vst.idx.msk $0xffff, v3  }
0x18: {  	v1 =	vld [tilespmem:s6+$0xFFFFFFF0];
	_ =	sdelay $0x2  }
0x19: {  	s8 =	sadd.s32 $0x10, s3  }
0x1a: {  	v2 =	vor.u32 s8, v0  }
0x1b: {  	v3 =	vshll.u32 v2, $0x5;
	v1 =	vshll.u32 v1, $0x1  }
0x1c: {  	v1 =	vadd.s32 v3, v1  }
0x1d: {  	v3 =	vor.u32 $0x1, v1;
	_ =	sdelay $0x3  }
0x1e: {  	v2 =	vshll.u32 v2, $0x1;
	v1 =	vld.idx.msk [tilespmem:v1+s4+$0x0], $0xffff  }
0x1f: {  	v61 =	vor.u32 $0x1, v2;
	v3 =	vld.idx.msk [tilespmem:v3+s4+$0x0], $0xffff;
	_ =	sdelay $0x3  }
0x20: {  	[tilespmem:v2+s7+$0x0] =	vst.idx.msk $0xffff, v1  }
0x21: {  	[tilespmem:v61+s7+$0x0] =	vst.idx.msk $0xffff, v3  }
0x22: {  	v1 =	vld [tilespmem:s6+$0x0];
	_ =	sdelay $0x2  }
0x23: {  	s30 =	sadd.s32 $0x20, s3  }
0x24: {  	v2 =	vor.u32 s30, v0  }
0x25: {  	v3 =	vshll.u32 v2, $0x5;
	v1 =	vshll.u32 v1, $0x1  }
0x26: {  	v1 =	vadd.s32 v3, v1  }
0x27: {  	v3 =	vor.u32 $0x1, v1;
	_ =	sdelay $0x3  }
0x28: {  	v2 =	vshll.u32 v2, $0x1;
	v1 =	vld.idx.msk [tilespmem:v1+s4+$0x0], $0xffff  }
0x29: {  	v62 =	vor.u32 $0x1, v2;
	v3 =	vld.idx.msk [tilespmem:v3+s4+$0x0], $0xffff;
	_ =	sdelay $0x3  }
0x2a: {  	[tilespmem:v2+s7+$0x0] =	vst.idx.msk $0xffff, v1  }
0x2b: {  	[tilespmem:v62+s7+$0x0] =	vst.idx.msk $0xffff, v3  }
0x2c: {  	v1 =	vld [tilespmem:s6+$0x10];
	_ =	sdelay $0x2  }
0x2d: {  	s31 =	sadd.s32 $0x30, s3  }
0x2e: {  	v2 =	vor.u32 s31, v0  }
0x2f: {  	v3 =	vshll.u32 v2, $0x5;
	v1 =	vshll.u32 v1, $0x1  }
0x30: {  	v1 =	vadd.s32 v3, v1  }
0x31: {  	v3 =	vor.u32 $0x1, v1;
	_ =	sdelay $0x3  }
0x32: {  	s5 =	sadd.s32 $0x4, s5;
	v2 =	vshll.u32 v2, $0x1;
	v1 =	vld.idx.msk [tilespmem:v1+s4+$0x0], $0xffff  }
0x33: {  	p0 =	slt.u32 s5, $0x3C;
	v63 =	vor.u32 $0x1, v2;
	v3 =	vld.idx.msk [tilespmem:v3+s4+$0x0], $0xffff  }
.Ltmp0:
0x34: {  	_ = 	snop;
	(pc) =	sbr.rel @p0 .LBB2_1-.Ltmp0, $3  }
0x35: {  	_ =	sdelay $0x1  }
0x36: {  	[tilespmem:v2+s7+$0x0] =	vst.idx.msk $0xffff, v1  }
0x37: {  	s3 =	sadd.s32 $0x40, s3;
	s6 =	sadd.s32 $0x40, s6;
	[tilespmem:v63+s7+$0x0] =	vst.idx.msk $0xffff, v3  }
0x38: {  	s3 =	sshll.u32 s1, $0x8;
	s30 =	simm.s32 $0x0  }
0x39: {  	s4 =	simm.s32 $0x8400;
	s31 =	simm.s32 $0x1;
	s2 =	sadd.s32 s2, s3  }
0x3a: {  	[hbm4b:s2+s30] =	stream.linear.scatter [tilespmem:s4], [sflag:$0x1], $0x800, $0x38;
	[tilespmem:$0x8C00] =	vst v63  }
0x3b: {  	_ =	swait.ge [sflag:s31], $0x800  }
0x3c: {  	[sflag:s31] =	ssyncset.done $0x0  }
0x3d: {  	[sflag:s31] =	ssyncadd.s32 $0xFFFFF800  }
0x3e: {  	_ =	sfence.sel $0x180000  }
0x3f: {  	[bflag:$0x0] =	sbarrier.arrive $0xFFFF  }
0x40: {  	p0 =	sne.s32 s1, $0x0;
	_ =	strace $0x90000047  }
0x41: {  	s0 =	sadd.s32 @!p0 $0x100000, s0;
	[bflag:$0x2] =	sbarrier.arrive $0xFFFF  }
0x42: {  	[sflag:s0] =	ssyncadd.tile.s32 @!p0 $0x1;
	_ =	shalt  }
.Lfunc_end2:
_tile_overlayer_lowered:
.L_overlay_start_2:
0x43: {  	(tag) =	ssettag $0x2  }
0x44: {  	s0 =	rddreg [dreg:$0x0];
	s2 =	stileid.u32  }
0x45: {  	s1 =	rddreg [dreg:$0x1];
	p0 =	sne.s32 s2, $0x0  }
0x46: {  	s3 =	rddreg [dreg:$0x2];
	[bflag:$0x3] =	sbarrier.arrive $0xFFFF;
	s2 =	simm.s32 @!p0 $0x1C01  }
0x47: {  	[timem:s3], [sflag:s2] =	dma.local @!p0 [hbm:s0], s1  }
0x48: {  	s0 =	simm.s32 @!p0 $0x1  }
0x49: {  	_ =	swait.ge @!p0 [sflag:s0], s1  }
0x4a: {  	s1 =	ssub.s32 @!p0 $0x0, s1;
	[sflag:s0] =	ssyncset.done @!p0 $0x0  }
0x4b: {  	[sflag:s0] =	ssyncadd.s32 @!p0 s1  }
0x4c: {  	[bflag:$0x3] =	sbarrier.arrive $0xFFFF  }
0x4d: {  	_ =	shalt  }

</sc_bundles>
